<compile_context>
chip_gen: v7x
topology: tpu7x:2x2x1
jax: 0.10.2.dev20260603
libtpu: 0.0.44.dev20260713+nightly
codegen_flags: <defaults>
</compile_context>

<pallas_src>
import jax
import jax.numpy as jnp
from jax import lax
from jax.experimental import pallas as pl
from jax.experimental.pallas import tpu as pltpu
from jax.experimental.pallas import tpu_sc as plsc

_N = 50000
_C = 1061

_BN = 2000
_NB = 12

_SC_BASE = 24000
_WROWS = 40
_WPW = 20
_NW = 32


def _tc_kernel(x_ref, o_ref, acc_ref):
    i = pl.program_id(0)

    @pl.when(i == 0)
    def _init():
        acc_ref[...] = jnp.zeros_like(acc_ref)

    acc_ref[...] += jnp.sum(x_ref[...], axis=0, keepdims=True)

    @pl.when(i == _NB - 1)
    def _fin():
        o_ref[...] = acc_ref[0, :2][None, :] * jnp.ones((16, 1), jnp.float32)


def _sc_probe(x_hbm, out_hbm, buf0, buf1, sem0, sem1):
    wid = lax.axis_index("s") * 2 + lax.axis_index("c")
    base = _SC_BASE + wid * (_WPW * _WROWS)

    def mk(w, buf, sem):
        return pltpu.make_async_copy(
            x_hbm.at[pl.ds(base + w * _WROWS, _WROWS), :], buf, sem)

    mk(0, buf0, sem0).start()
    mk(1, buf1, sem1).start()

    def body(w, carry):
        @pl.when(lax.rem(w, 2) == 0)
        def _():
            mk(w, buf0, sem0).wait()

            @pl.when(w + 2 < _WPW)
            def _():
                mk(w + 2, buf0, sem0).start()

        @pl.when(lax.rem(w, 2) == 1)
        def _():
            mk(w, buf1, sem1).wait()

            @pl.when(w + 2 < _WPW)
            def _():
                mk(w + 2, buf1, sem1).start()

        return carry

    lax.fori_loop(0, _WPW, body, 0)

    pltpu.sync_copy(buf0.at[pl.ds(0, 1), pl.ds(0, 128)],
                    out_hbm.at[pl.ds(wid, 1), :])


def kernel(x, edge_index, batch, params):
    del edge_index, batch, params
    mesh = plsc.VectorSubcoreMesh(core_axis_name="c", subcore_axis_name="s")
    r_sc = pl.kernel(
        _sc_probe,
        out_type=jax.ShapeDtypeStruct((_NW, 128), jnp.float32),
        mesh=mesh,
        scratch_types=[
            pltpu.VMEM((_WROWS, _C), jnp.float32),
            pltpu.VMEM((_WROWS, _C), jnp.float32),
            pltpu.SemaphoreType.DMA,
            pltpu.SemaphoreType.DMA,
        ],
        compiler_params=pltpu.CompilerParams(use_tc_tiling_on_sc=True),
    )(x)

    r_tc = pl.pallas_call(
        _tc_kernel,
        grid=(_NB,),
        in_specs=[pl.BlockSpec((_BN, _C), lambda i: (i, 0))],
        out_specs=pl.BlockSpec((16, 2), lambda i: (0, 0)),
        out_shape=jax.ShapeDtypeStruct((16, 2), jnp.float32),
        scratch_shapes=[pltpu.VMEM((1, _C), jnp.float32)],
        compiler_params=pltpu.CompilerParams(
            dimension_semantics=("arbitrary",),
        ),
    )(x)

    return r_tc + r_sc[0:16, 0:2]

# --- scband reference (transcript-rebuilt; emitter-appended) ---
"""Pipeline reference for scband-net-49641232007467 (READ-ONLY COPY).

The authoritative reference and input builder live on the scoring server;
editing this copy changes nothing except your own understanding.
"""

import jax, jax.numpy as jnp
import numpy as np

N = 50000
E = 800000
G = 16
BERT = 1024
IN_COLS = 37 + BERT


def _init_params(key):
    params = {}
    keys = jax.random.split(key, 64)
    ki = [0]
    def nk():
        k = keys[ki[0]]
        ki[0] += 1
        return k
    gcn_dims = [(2, 32), (32, 32), (32, 48), (48, 64), (64, 96), (96, 128)]
    for li, (a, b) in enumerate(gcn_dims):
        lim = float(np.sqrt(6.0 / (a + b)))
        params['gcn_w%d' % li] = jax.random.uniform(nk(), (a, b), jnp.float32, -lim, lim)
        params['gcn_b%d' % li] = jnp.zeros((b,), jnp.float32)
    def lin(name, a, b):
        lim = float(np.sqrt(1.0 / a))
        params[name + '_w'] = jax.random.uniform(nk(), (a, b), jnp.float32, -lim, lim)
        params[name + '_b'] = jax.random.uniform(nk(), (b,), jnp.float32, -lim, lim)
    lin('fp_l1', 128, 64)
    lin('fp_l2', 64, 32)
    for li, (a, b) in enumerate([(BERT, 32), (32, 64), (64, 128), (128, 64), (64, 32)]):
        lin('sp_l%d' % li, a, b)
    lim = float(np.sqrt(1.0 / 32))
    for nm in ['q', 'k', 'v', 'o']:
        params['mha_w' + nm] = jax.random.uniform(nk(), (32, 32), jnp.float32, -lim, lim)
        params['mha_b' + nm] = jnp.zeros((32,), jnp.float32)
    lin('cls_l1', 32, 2)
    lin('cls_l2', 2, 2)
    return params


def setup_inputs(seed: int = 0):
    key = jax.random.key(seed)
    k1, k2, k3, kp = jax.random.split(key, 4)
    x = jax.random.normal(k1, (N, IN_COLS), dtype=jnp.float32)
    edge_index = jax.random.randint(k2, (2, E), 0, N, dtype=jnp.int32)
    batch = jnp.sort(jax.random.randint(k3, (N,), 0, G, dtype=jnp.int32))
    return {'x': x, 'edge_index': edge_index, 'batch': batch, 'params': _init_params(kp)}


def _forward(x, params, edge_index, batch):
    src = edge_index[0]
    dst = edge_index[1]
    loop = jnp.arange(N, dtype=src.dtype)
    src_f = jnp.concatenate([src, loop])
    dst_f = jnp.concatenate([dst, loop])
    deg = jnp.zeros((N,), jnp.float32).at[dst_f].add(1.0)
    dinv = jnp.where(deg > 0, jax.lax.rsqrt(jnp.maximum(deg, 1e-12)), 0.0)
    norm = dinv[src_f] * dinv[dst_f]

    def gcn(h, W, b):
        hW = h @ W
        msg = hW[src_f] * norm[:, None]
        agg = jnp.zeros((N, W.shape[1]), jnp.float32).at[dst_f].add(msg)
        return agg + b

    def seg_mean(h):
        s = jax.ops.segment_sum(h, batch, num_segments=G)
        c = jax.ops.segment_sum(jnp.ones((h.shape[0],), jnp.float32), batch, num_segments=G)
        return s / jnp.maximum(c, 1.0)[:, None]

    # FirstPath (6 GCN layers + global mean pool + 2 linears)
    h = x[:, jnp.array([0, 1])]
    for li in range(6):
        h = jax.nn.relu(gcn(h, params['gcn_w%d' % li], params['gcn_b%d' % li]))
    hp = seg_mean(h)
    hp = jax.nn.relu(hp @ params['fp_l1_w'] + params['fp_l1_b'])
    hp = hp @ params['fp_l2_w'] + params['fp_l2_b']

    # SecPath (global mean pool over bert features + 5 linears, relu after each)
    hb = seg_mean(x[:, 37:])
    for li in range(5):
        hb = jax.nn.relu(hb @ params['sp_l%d_w' % li] + params['sp_l%d_b' % li])

    # MultiheadAttention fusion; seq_len=1, 4 heads, embed 32
    q = hp @ params['mha_wq'] + params['mha_bq']
    k = hp @ params['mha_wk'] + params['mha_bk']
    v = hb @ params['mha_wv'] + params['mha_bv']
    B = q.shape[0]
    H, Dh = 4, 8
    qh = q.reshape(B, H, Dh)
    kh = k.reshape(B, H, Dh)
    vh = v.reshape(B, H, Dh)
    scores = jnp.sum(qh * kh, axis=-1, keepdims=True) / np.sqrt(Dh)
    attn = jax.nn.softmax(scores, axis=-1)
    oh = attn * vh
    fused = oh.reshape(B, 32) @ params['mha_wo'] + params['mha_bo']

    # AttentionClassifier
    z = jax.nn.relu(fused @ params['cls_l1_w'] + params['cls_l1_b'])
    return z @ params['cls_l2_w'] + params['cls_l2_b']


def reference(x, edge_index, batch, params):
    return _forward(x, params, edge_index, batch)

if __name__ == "__main__":
    import jax
    _d = setup_inputs()
    print(jax.jit(kernel)(*tuple(_d.values())))

</pallas_src>

<mosaic_0001>
#map = affine_map<(d0, d1) -> (0, 0)>
module attributes {stable_mosaic.version = 14 : i64} {
  func.func @_sc_probe(%arg0: i32, %arg1: i32, %arg2: memref<50000x1061xf32, #tpu.memory_space<hbm>>, %arg3: memref<32x128xf32, #tpu.memory_space<hbm>>, %arg4: memref<40x1061xf32, #tpu.memory_space<vmem>>, %arg5: memref<40x1061xf32, #tpu.memory_space<vmem>>, %arg6: memref<!tpu.dma_semaphore, #tpu.memory_space<semaphore_mem>>, %arg7: memref<!tpu.dma_semaphore, #tpu.memory_space<semaphore_mem>>) attributes {dimension_semantics = [#tpu.dimension_semantics<core_parallel>, #tpu.dimension_semantics<subcore_parallel>], iteration_bounds = array<i64: 2, 16>, scalar_prefetch = 0 : i64, scratch_operands = 4 : i64, tpu.core_type = #tpu.core_type<sc_vector_subcore>, window_params = [{transform_indices = #map}, {transform_indices = #map}]} {
    %mul3A = arith.constant 2 : i32
    %mul3A_0 = arith.muli %arg1, %mul3A : i32
    %add3A = arith.addi %mul3A_0, %arg0 : i32
    %mul3A_1 = arith.constant 800 : i32
    %mul3A_2 = arith.muli %add3A, %mul3A_1 : i32
    %add3A_3 = arith.constant 24000 : i32
    %add3A_4 = arith.addi %add3A_3, %mul3A_2 : i32
    %add3A_5 = arith.constant 0 : i32
    %add3A_6 = arith.addi %add3A_4, %add3A_5 : i32
    %dma_start3A = arith.constant 0 : i32
    %dma_start3A_7 = tpu.memref_slice %arg2[%add3A_6, %dma_start3A] : memref<50000x1061xf32, #tpu.memory_space<hbm>> -> memref<40x1061xf32, #tpu.memory_space<hbm>>
    %dma_start3A_8 = arith.constant 0 : i32
    %dma_start3A_9 = tpu.memref_slice %arg2[%add3A_6, %dma_start3A_8] : memref<50000x1061xf32, #tpu.memory_space<hbm>> -> memref<40x1061xf32, #tpu.memory_space<hbm>>
    tpu.enqueue_dma source(%dma_start3A_9 : memref<40x1061xf32, #tpu.memory_space<hbm>>) target(%arg4 : memref<40x1061xf32, #tpu.memory_space<vmem>>) target_semaphore(%arg6 : memref<!tpu.dma_semaphore, #tpu.memory_space<semaphore_mem>>)
    %add3A_10 = arith.constant 40 : i32
    %add3A_11 = arith.addi %add3A_4, %add3A_10 : i32
    %dma_start3A_12 = arith.constant 0 : i32
    %dma_start3A_13 = tpu.memref_slice %arg2[%add3A_11, %dma_start3A_12] : memref<50000x1061xf32, #tpu.memory_space<hbm>> -> memref<40x1061xf32, #tpu.memory_space<hbm>>
    %dma_start3A_14 = arith.constant 0 : i32
    %dma_start3A_15 = tpu.memref_slice %arg2[%add3A_11, %dma_start3A_14] : memref<50000x1061xf32, #tpu.memory_space<hbm>> -> memref<40x1061xf32, #tpu.memory_space<hbm>>
    tpu.enqueue_dma source(%dma_start3A_15 : memref<40x1061xf32, #tpu.memory_space<hbm>>) target(%arg5 : memref<40x1061xf32, #tpu.memory_space<vmem>>) target_semaphore(%arg7 : memref<!tpu.dma_semaphore, #tpu.memory_space<semaphore_mem>>)
    %scan3A = arith.constant 0 : i32
    %scan3A_16 = arith.constant 0 : i32
    %scan3A_17 = arith.constant 20 : i32
    %scan3A_18 = arith.addi %scan3A_16, %scan3A_17 : i32
    %scan3A_19 = arith.constant 1 : i32
    scf.for %scan3A_21 = %scan3A_16 to %scan3A_18 step %scan3A_19  : i32 {
      %rem3A = arith.constant 2 : i32
      %rem3A_22 = arith.remsi %scan3A_21, %rem3A : i32
      %eq3A = arith.constant 0 : i32
      %eq3A_23 = arith.cmpi eq, %rem3A_22, %eq3A : i32
      %convert_element_type3A = arith.extui %eq3A_23 : i1 to i32
      %cond3A = arith.constant 0 : i32
      %cond3A_24 = arith.cmpi ne, %convert_element_type3A, %cond3A : i32
      scf.if %cond3A_24 {
        %mul3A_32 = arith.constant 40 : i32
        %mul3A_33 = arith.muli %scan3A_21, %mul3A_32 : i32
        %add3A_34 = arith.addi %add3A_4, %mul3A_33 : i32
        %dma_wait3A = arith.constant 0 : i32
        %dma_wait3A_35 = tpu.memref_slice %arg2[%add3A_34, %dma_wait3A] : memref<50000x1061xf32, #tpu.memory_space<hbm>> -> memref<40x1061xf32, #tpu.memory_space<hbm>>
        %dma_wait3A_36 = arith.constant 0 : i32
        %dma_wait3A_37 = tpu.memref_slice %arg2[%add3A_34, %dma_wait3A_36] : memref<50000x1061xf32, #tpu.memory_space<hbm>> -> memref<40x1061xf32, #tpu.memory_space<hbm>>
        tpu.wait_dma2 semaphore(%arg6 : memref<!tpu.dma_semaphore, #tpu.memory_space<semaphore_mem>>) src(%dma_wait3A_37 : memref<40x1061xf32, #tpu.memory_space<hbm>>) dst(%arg4 : memref<40x1061xf32, #tpu.memory_space<vmem>>)
        %add3A_38 = arith.constant 2 : i32
        %add3A_39 = arith.addi %scan3A_21, %add3A_38 : i32
        %lt3A = arith.constant 20 : i32
        %lt3A_40 = arith.cmpi slt, %add3A_39, %lt3A : i32
        %convert_element_type3A_41 = arith.extui %lt3A_40 : i1 to i32
        %cond3A_42 = arith.constant 0 : i32
        %cond3A_43 = arith.cmpi ne, %convert_element_type3A_41, %cond3A_42 : i32
        scf.if %cond3A_43 {
          %add3A_44 = arith.constant 2 : i32
          %add3A_45 = arith.addi %scan3A_21, %add3A_44 : i32
          %mul3A_46 = arith.constant 40 : i32
          %mul3A_47 = arith.muli %add3A_45, %mul3A_46 : i32
          %add3A_48 = arith.addi %add3A_4, %mul3A_47 : i32
          %dma_start3A_49 = arith.constant 0 : i32
          %dma_start3A_50 = tpu.memref_slice %arg2[%add3A_48, %dma_start3A_49] : memref<50000x1061xf32, #tpu.memory_space<hbm>> -> memref<40x1061xf32, #tpu.memory_space<hbm>>
          %dma_start3A_51 = arith.constant 0 : i32
          %dma_start3A_52 = tpu.memref_slice %arg2[%add3A_48, %dma_start3A_51] : memref<50000x1061xf32, #tpu.memory_space<hbm>> -> memref<40x1061xf32, #tpu.memory_space<hbm>>
          tpu.enqueue_dma source(%dma_start3A_52 : memref<40x1061xf32, #tpu.memory_space<hbm>>) target(%arg4 : memref<40x1061xf32, #tpu.memory_space<vmem>>) target_semaphore(%arg6 : memref<!tpu.dma_semaphore, #tpu.memory_space<semaphore_mem>>)
        } else {
        }
      } else {
      }
      %rem3A_25 = arith.constant 2 : i32
      %rem3A_26 = arith.remsi %scan3A_21, %rem3A_25 : i32
      %eq3A_27 = arith.constant 1 : i32
      %eq3A_28 = arith.cmpi eq, %rem3A_26, %eq3A_27 : i32
      %convert_element_type3A_29 = arith.extui %eq3A_28 : i1 to i32
      %cond3A_30 = arith.constant 0 : i32
      %cond3A_31 = arith.cmpi ne, %convert_element_type3A_29, %cond3A_30 : i32
      scf.if %cond3A_31 {
        %mul3A_32 = arith.constant 40 : i32
        %mul3A_33 = arith.muli %scan3A_21, %mul3A_32 : i32
        %add3A_34 = arith.addi %add3A_4, %mul3A_33 : i32
        %dma_wait3A = arith.constant 0 : i32
        %dma_wait3A_35 = tpu.memref_slice %arg2[%add3A_34, %dma_wait3A] : memref<50000x1061xf32, #tpu.memory_space<hbm>> -> memref<40x1061xf32, #tpu.memory_space<hbm>>
        %dma_wait3A_36 = arith.constant 0 : i32
        %dma_wait3A_37 = tpu.memref_slice %arg2[%add3A_34, %dma_wait3A_36] : memref<50000x1061xf32, #tpu.memory_space<hbm>> -> memref<40x1061xf32, #tpu.memory_space<hbm>>
        tpu.wait_dma2 semaphore(%arg7 : memref<!tpu.dma_semaphore, #tpu.memory_space<semaphore_mem>>) src(%dma_wait3A_37 : memref<40x1061xf32, #tpu.memory_space<hbm>>) dst(%arg5 : memref<40x1061xf32, #tpu.memory_space<vmem>>)
        %add3A_38 = arith.constant 2 : i32
        %add3A_39 = arith.addi %scan3A_21, %add3A_38 : i32
        %lt3A = arith.constant 20 : i32
        %lt3A_40 = arith.cmpi slt, %add3A_39, %lt3A : i32
        %convert_element_type3A_41 = arith.extui %lt3A_40 : i1 to i32
        %cond3A_42 = arith.constant 0 : i32
        %cond3A_43 = arith.cmpi ne, %convert_element_type3A_41, %cond3A_42 : i32
        scf.if %cond3A_43 {
          %add3A_44 = arith.constant 2 : i32
          %add3A_45 = arith.addi %scan3A_21, %add3A_44 : i32
          %mul3A_46 = arith.constant 40 : i32
          %mul3A_47 = arith.muli %add3A_45, %mul3A_46 : i32
          %add3A_48 = arith.addi %add3A_4, %mul3A_47 : i32
          %dma_start3A_49 = arith.constant 0 : i32
          %dma_start3A_50 = tpu.memref_slice %arg2[%add3A_48, %dma_start3A_49] : memref<50000x1061xf32, #tpu.memory_space<hbm>> -> memref<40x1061xf32, #tpu.memory_space<hbm>>
          %dma_start3A_51 = arith.constant 0 : i32
          %dma_start3A_52 = tpu.memref_slice %arg2[%add3A_48, %dma_start3A_51] : memref<50000x1061xf32, #tpu.memory_space<hbm>> -> memref<40x1061xf32, #tpu.memory_space<hbm>>
          tpu.enqueue_dma source(%dma_start3A_52 : memref<40x1061xf32, #tpu.memory_space<hbm>>) target(%arg5 : memref<40x1061xf32, #tpu.memory_space<vmem>>) target_semaphore(%arg7 : memref<!tpu.dma_semaphore, #tpu.memory_space<semaphore_mem>>)
        } else {
        }
      } else {
      }
    }
    %scan3A_20 = arith.constant 20 : i32
    "tpu.region"() ({
      %run_scoped3A = tpu.sem_alloc : memref<!tpu.dma_semaphore, #tpu.memory_space<semaphore_mem>>
      %dma_start3A_21 = arith.constant 0 : i32
      %dma_start3A_22 = arith.constant 0 : i32
      %dma_start3A_23 = tpu.memref_slice %arg4[%dma_start3A_21, %dma_start3A_22] : memref<40x1061xf32, #tpu.memory_space<vmem>> -> memref<1x128xf32, #tpu.memory_space<vmem>>
      %dma_start3A_24 = arith.constant 0 : i32
      %dma_start3A_25 = tpu.memref_slice %arg3[%add3A, %dma_start3A_24] : memref<32x128xf32, #tpu.memory_space<hbm>> -> memref<1x128xf32, #tpu.memory_space<hbm>>
      %dma_start3A_26 = arith.constant 0 : i32
      %dma_start3A_27 = tpu.memref_slice %arg3[%add3A, %dma_start3A_26] : memref<32x128xf32, #tpu.memory_space<hbm>> -> memref<1x128xf32, #tpu.memory_space<hbm>>
      %dma_start3A_28 = arith.constant 0 : i32
      %dma_start3A_29 = arith.constant 0 : i32
      %dma_start3A_30 = tpu.memref_slice %arg4[%dma_start3A_28, %dma_start3A_29] : memref<40x1061xf32, #tpu.memory_space<vmem>> -> memref<1x128xf32, #tpu.memory_space<vmem>>
      tpu.enqueue_dma source(%dma_start3A_30 : memref<1x128xf32, #tpu.memory_space<vmem>>) target(%dma_start3A_27 : memref<1x128xf32, #tpu.memory_space<hbm>>) target_semaphore(%run_scoped3A : memref<!tpu.dma_semaphore, #tpu.memory_space<semaphore_mem>>)
      %dma_wait3A = arith.constant 0 : i32
      %dma_wait3A_31 = arith.constant 0 : i32
      %dma_wait3A_32 = tpu.memref_slice %arg4[%dma_wait3A, %dma_wait3A_31] : memref<40x1061xf32, #tpu.memory_space<vmem>> -> memref<1x128xf32, #tpu.memory_space<vmem>>
      %dma_wait3A_33 = arith.constant 0 : i32
      %dma_wait3A_34 = tpu.memref_slice %arg3[%add3A, %dma_wait3A_33] : memref<32x128xf32, #tpu.memory_space<hbm>> -> memref<1x128xf32, #tpu.memory_space<hbm>>
      %dma_wait3A_35 = arith.constant 0 : i32
      %dma_wait3A_36 = tpu.memref_slice %arg3[%add3A, %dma_wait3A_35] : memref<32x128xf32, #tpu.memory_space<hbm>> -> memref<1x128xf32, #tpu.memory_space<hbm>>
      %dma_wait3A_37 = arith.constant 0 : i32
      %dma_wait3A_38 = arith.constant 0 : i32
      %dma_wait3A_39 = tpu.memref_slice %arg4[%dma_wait3A_37, %dma_wait3A_38] : memref<40x1061xf32, #tpu.memory_space<vmem>> -> memref<1x128xf32, #tpu.memory_space<vmem>>
      tpu.wait_dma2 semaphore(%run_scoped3A : memref<!tpu.dma_semaphore, #tpu.memory_space<semaphore_mem>>) src(%dma_wait3A_39 : memref<1x128xf32, #tpu.memory_space<vmem>>) dst(%dma_wait3A_36 : memref<1x128xf32, #tpu.memory_space<hbm>>)
      tpu.yield
    }) : () -> ()
    return
  }
}

module attributes {stable_mosaic.version = 14 : i64} {
  func.func @_tc_kernel(%arg0: i32, %arg1: memref<2000x1061xf32, #tpu.memory_space<vmem>>, %arg2: memref<16x2xf32, #tpu.memory_space<vmem>>, %arg3: memref<1x1061xf32, #tpu.memory_space<vmem>>) attributes {dimension_semantics = [#tpu.dimension_semantics<arbitrary>], iteration_bounds = array<i64: 12>, scalar_prefetch = 0 : i64, scratch_operands = 1 : i64, tpu.core_type = #tpu.core_type<tc>, window_params = [{transform_indices = @transform_0, window_bounds = array<i64: 2000, 1061>}, {pipeline_mode = #tpu.pipeline_mode<synchronous>, transform_indices = @transform_1, window_bounds = array<i64: 16, 2>}]} {
    %eq3A = arith.constant 0 : i32
    %eq3A_0 = arith.cmpi eq, %arg0, %eq3A : i32
    %convert_element_type3A = arith.extui %eq3A_0 : i1 to i32
    %cond3A = arith.constant 0 : i32
    %cond3A_1 = arith.cmpi ne, %convert_element_type3A, %cond3A : i32
    scf.if %cond3A_1 {
      %broadcast_in_dim3A_15 = arith.constant 0.000000e+00 : f32
      %broadcast_in_dim3A_16 = vector.broadcast %broadcast_in_dim3A_15 : f32 to vector<1x1061xf32>
      %swap3A_17 = arith.constant 0 : index
      %swap3A_18 = arith.constant 0 : index
      %swap3A_19 = vector.load %arg3[%swap3A_17, %swap3A_18] : memref<1x1061xf32, #tpu.memory_space<vmem>>, vector<1x1061xf32>
      tpu.vector_store %arg3[%swap3A_17, %swap3A_18], %broadcast_in_dim3A_16 {strides = array<i32>} : memref<1x1061xf32, #tpu.memory_space<vmem>>, vector<1x1061xf32>,
    } else {
    }
    %get3A = arith.constant 0 : index
    %get3A_2 = arith.constant 0 : index
    %get3A_3 = vector.load %arg3[%get3A, %get3A_2] : memref<1x1061xf32, #tpu.memory_space<vmem>>, vector<1x1061xf32>
    %get3A_4 = arith.constant 0 : index
    %get3A_5 = arith.constant 0 : index
    %get3A_6 = vector.load %arg1[%get3A_4, %get3A_5] : memref<2000x1061xf32, #tpu.memory_space<vmem>>, vector<2000x1061xf32>
    %reduce_sum3A = arith.constant dense<0.000000e+00> : vector<1061xf32>
    %reduce_sum3A_7 = vector.multi_reduction <add>, %get3A_6, %reduce_sum3A [0] : vector<2000x1061xf32> to vector<1061xf32>
    %broadcast_in_dim3A = vector.shape_cast %reduce_sum3A_7 : vector<1061xf32> to vector<1x1061xf32>
    %add3A = arith.addf %get3A_3, %broadcast_in_dim3A : vector<1x1061xf32>
    %swap3A = arith.constant 0 : index
    %swap3A_8 = arith.constant 0 : index
    %swap3A_9 = vector.load %arg3[%swap3A, %swap3A_8] : memref<1x1061xf32, #tpu.memory_space<vmem>>, vector<1x1061xf32>
    tpu.vector_store %arg3[%swap3A, %swap3A_8], %add3A {strides = array<i32>} : memref<1x1061xf32, #tpu.memory_space<vmem>>, vector<1x1061xf32>,
    %eq3A_10 = arith.constant 11 : i32
    %eq3A_11 = arith.cmpi eq, %arg0, %eq3A_10 : i32
    %convert_element_type3A_12 = arith.extui %eq3A_11 : i1 to i32
    %cond3A_13 = arith.constant 0 : i32
    %cond3A_14 = arith.cmpi ne, %convert_element_type3A_12, %cond3A_13 : i32
    scf.if %cond3A_14 {
      %get3A_15 = arith.constant 0 : index
      %get3A_16 = arith.constant 0 : index
      %get3A_17 = vector.load %arg3[%get3A_15, %get3A_16] : memref<1x1061xf32, #tpu.memory_space<vmem>>, vector<1x2xf32>
      %get3A_18 = vector.shape_cast %get3A_17 : vector<1x2xf32> to vector<2xf32>
      %broadcast_in_dim3A_19 = vector.shape_cast %get3A_18 : vector<2xf32> to vector<1x2xf32>
      %broadcast_in_dim3A_20 = arith.constant 1.000000e+00 : f32
      %broadcast_in_dim3A_21 = vector.broadcast %broadcast_in_dim3A_20 : f32 to vector<16x1xf32>
      %mul3A = vector.broadcast %broadcast_in_dim3A_19 : vector<1x2xf32> to vector<16x2xf32>
      %mul3A_22 = vector.broadcast %broadcast_in_dim3A_21 : vector<16x1xf32> to vector<16x2xf32>
      %mul3A_23 = arith.mulf %mul3A, %mul3A_22 : vector<16x2xf32>
      %swap3A_24 = arith.constant 0 : index
      %swap3A_25 = arith.constant 0 : index
      %swap3A_26 = vector.load %arg2[%swap3A_24, %swap3A_25] : memref<16x2xf32, #tpu.memory_space<vmem>>, vector<16x2xf32>
      tpu.vector_store %arg2[%swap3A_24, %swap3A_25], %mul3A_23 {strides = array<i32>} : memref<16x2xf32, #tpu.memory_space<vmem>>, vector<16x2xf32>,
    } else {
    }
    return
  }
  func.func @transform_0(%arg0: i32) -> (i32, i32) {
    %c0_i32 = arith.constant 0 : i32
    %c0_i32_0 = arith.constant 0 : i32
    return %arg0, %c0_i32 : i32, i32
  }
  func.func @transform_1(%arg0: i32) -> (i32, i32) {
    %c0_i32 = arith.constant 0 : i32
    %c0_i32_0 = arith.constant 0 : i32
    %c0_i32_1 = arith.constant 0 : i32
    return %c0_i32, %c0_i32_0 : i32, i32
  }
}

</mosaic_0001>

<sc_bundles>
// kernel: kernel.4.cloned.1.call-start
scs
__scs_entry_jumppad:
0x0: {  	(pc) =	sbr.rel $0x88, $3  }
0x1: {  	(tag) =	ssettag $0x0;
	lr =	simm.s32 $0x1  }
0x2: {  	[smem:$0x3FA0] =	sst lr;
	_ =	strace $0xD0000000  }
0x3: {  	_ = 	snop  }
0x4: {  	_ = 	snop  }
0x5: {  	_ = 	snop  }
0x6: {  	_ = 	snop  }
0x7: {  	_ = 	snop  }
__scs_overlays_trampoline_lowered:
0x8: {  	[smem:$0x3FAF] =	sst s0  }
0x9: {  	[smem:$0x3FB0] =	sst s1  }
0xa: {  	[smem:$0x3FB1] =	sst s2  }
0xb: {  	[smem:$0x3FB2] =	sst s3  }
0xc: {  	[smem:$0x3FB3] =	sst s4  }
0xd: {  	[smem:$0x3FB4] =	sst s5  }
0xe: {  	[smem:$0x3FB5] =	sst s6  }
0xf: {  	[smem:$0x3FB6] =	sst s7  }
0x10: {  	[smem:$0x3FB7] =	sst s8  }
0x11: {  	[smem:$0x3FB8] =	sst s9;
	s0 =	simm.s32 @!p0 $0x0  }
0x12: {  	s1 =	sld [smem:$0x3F9E];
	s0 =	simm.s32 @p0 $0x1  }
0x13: {  	[smem:$0x3FB9] =	sst s0;
	s0 =	simm.s32 @!p1 $0x0  }
0x14: {  	s2 =	sld [smem:$0x3F9D];
	s0 =	simm.s32 @p1 $0x1  }
0x15: {  	[smem:$0x3FBA] =	sst s0;
	s0 =	simm.s32 @!p2 $0x0  }
0x16: {  	s3 =	sld [smem:$0x3FDB];
	s0 =	simm.s32 @p2 $0x1  }
0x17: {  	s4 =	simm.s32 $0x1BF5;
	[smem:$0x3FBC] =	sst s0  }
0x18: {  	s0 =	sld [smem:$0x3F9F];
	_ =	swait.ge [sflag:s4], $0x0  }
0x19: {  	s7 =	sld [smem:$0x3FA0]  }
0x1a: {  	s8 =	sadd.s32 $0xFFFFE003, lr  }
0x1b: {  	s9 =	sadd.s32 $0xFFFFFEF7, lr;
	s5 =	simm.s32 $0xFFFFFFFF;
	p2 =	slt.u32 s8, $0xFFFFF086  }
0x1c: {  	p1 =	slt.u32 s9, $0xF7A;
	s5 =	simm.s32 @!p2 $0x0  }
0x1d: {  	s5 =	simm.s32 @p1 $0x1;
	p0 =	seq.s32 s7, s2  }
0x1e: {  	s7 =	smul.u32 @!p0 $0xF7A, s2;
	p2 =	seq.s32 @!p0 s5, $0x0  }
0x1f: {  	s9 =	smul.u32 $0xF7A, s1;
	s8 =	simm.s32 @!p0 $0x1BF5;
	p2 =	por !p2, p0  }
0x20: {  	[sflag:s8] =	ssyncset.s32 @!p0 $0xFFFFF086;
	s6 =	sadd.s32 @!p0 s3, s7;
	s7 =	simm.s32 @!p0 $0x108  }
0x21: {  	s3 =	sadd.s32 s3, s9;
	s6 =	sadd.s32 @!p0 $0x88, s6;
	s7 =	simm.s32 @p2 $0x1082  }
0x22: {  	[simem:s7], [sflag:s8] =	dma.local @!p0 [hbm:s6], $0xF7A  }
0x23: {  	s9 =	sor.u32 $0xD0000000, s2;
	s6 =	simm.s32 $0x108;
	_ =	swait.ge @!p0 [sflag:s8], $0x0  }
0x24: {  	s3 =	sadd.s32 $0x88, s3;
	s6 =	simm.s32 @!p1 $0x1082;
	[sflag:s4] =	ssyncset.s32 $0xFFFFF086  }
0x25: {  	[simem:s6], [sflag:s4] =	dma.local [hbm:s3], $0xF7A  }
0x26: {  	[smem:$0x3FA0] =	sst s1;
	(tag) =	ssettag s2;
	_ =	strace s9  }
0x27: {  	s1 =	sld [smem:$0x3FB0]  }
0x28: {  	s2 =	sld [smem:$0x3FB1]  }
0x29: {  	s4 =	sld [smem:$0x3FB3]  }
0x2a: {  	p0 =	seq.s32 s5, $0x0;
	s5 =	sld [smem:$0x3FB4]  }
0x2b: {  	s6 =	sld [smem:$0x3FB5]  }
0x2c: {  	s7 =	sld [smem:$0x3FB6]  }
0x2d: {  	s3 =	simm.s32 $0x108;
	s8 =	sld [smem:$0x3FB7]  }
0x2e: {  	s3 =	simm.s32 @!p0 $0x1082;
	s9 =	sld [smem:$0x3FB8]  }
0x2f: {  	lr =	sadd.s32 s0, s3;
	s0 =	sld [smem:$0x3FAF]  }
0x30: {  	s3 =	sld [smem:$0x3FB2]  }
0x31: {  	[smem:$0x3FBB] =	sst s10  }
0x32: {  	s10 =	sld [smem:$0x3FB9];
	_ =	sdelay $0x3  }
0x33: {  	p0 =	seq.s32 s10, $0x1;
	s10 =	sld [smem:$0x3FBB];
	_ =	sdelay $0x3  }
0x34: {  	[smem:$0x3FBB] =	sst s10  }
0x35: {  	s10 =	sld [smem:$0x3FBA];
	_ =	sdelay $0x3  }
0x36: {  	p1 =	seq.s32 s10, $0x1;
	s10 =	sld [smem:$0x3FBB];
	_ =	sdelay $0x3  }
0x37: {  	[smem:$0x3FBB] =	sst s10  }
0x38: {  	s10 =	sld [smem:$0x3FBC]  }
0x39: {  	_ = 	snop;
	(pc) =	sbr.ind lr, $3  }
0x3a: {  	_ = 	snop  }
0x3b: {  	_ = 	snop  }
0x3c: {  	p2 =	seq.s32 s10, $0x1;
	s10 =	sld [smem:$0x3FBB]  }
0x3d: {  	_ =	shalt  }
0x3e: {  	_ =	shalt  }
0x3f: {  	_ =	shalt  }
0x40: {  	_ =	shalt  }
0x41: {  	_ =	shalt  }
0x42: {  	_ =	shalt  }
0x43: {  	_ =	shalt  }
0x44: {  	_ =	shalt  }
0x45: {  	_ =	shalt  }
0x46: {  	_ =	shalt  }
0x47: {  	_ =	shalt  }
0x48: {  	_ =	shalt  }
0x49: {  	_ =	shalt  }
0x4a: {  	_ =	shalt  }
0x4b: {  	_ =	shalt  }
0x4c: {  	_ =	shalt  }
0x4d: {  	_ =	shalt  }
0x4e: {  	_ =	shalt  }
0x4f: {  	_ =	shalt  }
0x50: {  	_ =	shalt  }
0x51: {  	_ =	shalt  }
0x52: {  	_ =	shalt  }
0x53: {  	_ =	shalt  }
0x54: {  	_ =	shalt  }
0x55: {  	_ =	shalt  }
0x56: {  	_ =	shalt  }
0x57: {  	_ =	shalt  }
0x58: {  	_ =	shalt  }
0x59: {  	_ =	shalt  }
0x5a: {  	_ =	shalt  }
0x5b: {  	_ =	shalt  }
0x5c: {  	_ =	shalt  }
0x5d: {  	_ =	shalt  }
0x5e: {  	_ =	shalt  }
0x5f: {  	_ =	shalt  }
0x60: {  	_ =	shalt  }
0x61: {  	_ =	shalt  }
0x62: {  	_ =	shalt  }
0x63: {  	_ =	shalt  }
0x64: {  	_ =	shalt  }
0x65: {  	_ =	shalt  }
0x66: {  	_ =	shalt  }
0x67: {  	_ =	shalt  }
0x68: {  	_ =	shalt  }
0x69: {  	_ =	shalt  }
0x6a: {  	_ =	shalt  }
0x6b: {  	_ =	shalt  }
0x6c: {  	_ =	shalt  }
0x6d: {  	_ =	shalt  }
0x6e: {  	_ =	shalt  }
0x6f: {  	_ =	shalt  }
0x70: {  	_ =	shalt  }
0x71: {  	_ =	shalt  }
0x72: {  	_ =	shalt  }
0x73: {  	_ =	shalt  }
0x74: {  	_ =	shalt  }
0x75: {  	_ =	shalt  }
0x76: {  	_ =	shalt  }
0x77: {  	_ =	shalt  }
0x78: {  	_ =	shalt  }
0x79: {  	_ =	shalt  }
0x7a: {  	_ =	shalt  }
0x7b: {  	_ =	shalt  }
0x7c: {  	_ =	shalt  }
0x7d: {  	_ =	shalt  }
0x7e: {  	_ =	shalt  }
0x7f: {  	_ =	shalt  }
0x80: {  	_ =	shalt  }
0x81: {  	_ =	shalt  }
0x82: {  	_ =	shalt  }
0x83: {  	_ =	shalt  }
0x84: {  	_ =	shalt  }
0x85: {  	_ =	shalt  }
0x86: {  	_ =	shalt  }
0x87: {  	_ =	shalt  }
.Lfunc_end0:
.L_simem_size_0:
called_computation_lowered:
.L_overlay_start_0:
0x88: {  	s2 =	sld [smem:$0x3FD9]  }
0x89: {  	s3 =	sld [smem:$0x3FFE];
	_ =	sdelay $0x1  }
0x8a: {  	s1 =	srdreg.scid  }
0x8b: {  	s0 =	sand.u32 $0x1, s1  }
0x8c: {  	s16 =	sshll.u32 s0, $0xA;
	s2 =	sadd.s32 s3, s2  }
0x8d: {  	s2 =	sadd.s32 s2, s16  }
0x8e: {  	[smem:$0x3FC7] =	sst s2  }
0x8f: {  	_ = 	snop  }
0x90: {  	(tm) =	ssettm $0x1  }
0x91: {  	s17 =	sld [smem:$0x3FFB];
	_ =	sdelay $0x3  }
0x92: {  	_ =	strace s17  }
0x93: {  	s2 =	sld [smem:$0x3FFC];
	_ =	sdelay $0x3  }
0x94: {  	_ =	strace s2  }
0x95: {  	s2 =	sld [smem:$0x3FFD];
	_ =	sdelay $0x3  }
0x96: {  	_ =	strace s2  }
0x97: {  	_ =	strace $0x8FFFFFFF  }
0x98: {  	s18 =	sld [smem:$0x3FDB];
	_ =	sdelay $0x1  }
0x99: {  	s19 =	simm.s32 $_scs_section_size  }
0x9a: {  	s4 =	simm.s32 $_size__tile_overlayer_lowered;
	s5 =	simm.s32 $_tile_overlayer_lowered  }
0x9b: {  	s22 =	simm.s32 $0x1BFF;
	s21 =	sshll.u32 s5, $0x1;
	s2 =	sadd.s32 s19, s18  }
0x9c: {  	s6 =	simm.s32 $0x0;
	s20 =	sshll.u32 s4, $0x1;
	s4 =	sadd.s32 s21, s2  }
0x9d: {  	[timem:s6], [sflag:s22] =	dma.local [hbm:s4], s20  }
0x9e: {  	_ =	swait.ge [sflag:s22], s20  }
0x9f: {  	s3 =	ssub.s32 $0x0, s20;
	[sflag:s22] =	ssyncset.done $0x0  }
0xa0: {  	[sflag:s22] =	ssyncadd.s32 s3;
	_ =	sdelay $0x1  }
0xa1: {  	s23 =	simm.s32 $0x1B8B  }
0xa2: {  	_ =	swait.ge [sflag:s23], $0x1  }
0xa3: {  	[sflag:s23] =	ssyncset.done $0x0  }
0xa4: {  	s25 =	simm.s32 $0x1B8E;
	s24 =	sld [smem:$0x3FFE];
	[sflag:s23] =	ssyncadd.s32 $0xFFFFFFFF  }
0xa5: {  	s26 =	simm.s32 $execute0_lowered;
	[smem:$0x3FD2] =	sst s25  }
0xa6: {  	s4 =	sshll.u32 s26, $0x1;
	_ =	strace $0x80000046;
	[dreg:$0x1] =	wrdreg $0xFFFFFFFF  }
0xa7: {  	s28 =	simm.s32 $_size_execute0_lowered;
	s2 =	sadd.s32 s2, s4;
	[dreg:$0x0] =	wrdreg $0x0  }
0xa8: {  	s4 =	sshll.u32 s28, $0x1;
	[dreg:$0x2] =	wrdreg s2  }
0xa9: {  	[dreg:$0x3] =	wrdreg s4  }
0xaa: {  	[dreg:$0x4] =	wrdreg $0xC0  }
0xab: {  	_ =	task [dreg:s6], $0x5FFFF  }
0xac: {  	[dreg:$0x1] =	wrdreg $0xFFFFFFFF  }
0xad: {  	[dreg:$0x0] =	wrdreg $0x60  }
0xae: {  	[dreg:$0x2] =	wrdreg s24  }
0xaf: {  	[dreg:$0x3] =	wrdreg $0x9  }
0xb0: {  	_ =	task.clear_ibuf [dreg:s6], $0x4FFFF;
	_ =	strace $0x90000046  }
0xb1: {  	s29 =	simm.s32 $0x9;
	_ =	strace $0x80000048  }
0xb2: {  	_ =	swait.ge [sflag:s29], $0x1  }
0xb3: {  	[sflag:s29] =	ssyncadd.s32 $0xFFFFFFFF  }
0xb4: {  	_ =	strace $0x90000048  }
0xb5: {  	_ =	sfence  }
0xb6: {  	s30 =	sld [smem:$0x0];
	_ =	sdelay $0x2  }
0xb7: {  	s31 =	sshll.u32 s1, $0xD;
	s1 =	sshrl.u32 s1, $0x2  }
0xb8: {  	s3 =	sand.u32 $0x4000, s31;
	s1 =	sadd.s32 s1, s30  }
0xb9: {  	s0 =	sor.u32 s3, s0;
	s1 =	sshll.u32 s1, $0x11  }
0xba: {  	s0 =	sor.u32 s1, s0  }
0xbb: {  	s0 =	sadd.s32 $0x8F2B, s0  }
0xbc: {  	[sflag:s0] =	ssyncadd.remote.s32 $0x1  }
0xbd: {  	_ =	sfence.sel $0xFFFF  }
0xbe: {  	[dreg:$0x0] =	wrdreg $0xFFFFFFFF;
	(pc) =	sbr.abs _section_cstart, $3  }
0xbf: {  	[dreg:$0x1] =	wrdreg $0xFFFFFFFF  }
0xc0: {  	_ =	task.clear_ibuf [dreg:s6], $0x2FFFF;
	_ =	strace $0x9FFFFFFF  }
0xc1: {  	(tm) =	ssettm $0x7FFFFFFF  }
tec
execute0_lowered:
.L_overlay_start_1:
0x0: {  	(tag) =	ssettag $0x1  }
0x1: {  	s1 =	srdreg.scid  }
0x2: {  	s0 =	stileid.u32;
	s5 =	rddreg [dreg:$0x0];
	s2 =	simm.s32 $0x0  }
0x3: {  	s10 =	simm.s32 $0x0;
	s3 =	sand.u32 $0x1, s1;
	s1 =	rddreg [dreg:$0x1]  }
0x4: {  	s29 =	sshll.u32 s0, $0x1;
	s7 =	smul.u32 $0x640, s0;
	[smem:$0x7FF] =	sst s2  }
0x5: {  	s9 =	sadd.s32 $0x400, s5;
	s4 =	sor.u32 s3, s29;
	s8 =	smul.u32 $0x320, s3  }
0x6: {  	s3 =	ssub.s32 $0x2, s3;
	s6 =	smul.u32 $0x320, s4;
	s4 =	sshll.u32 s4, $0x4  }
0x7: {  	_ =	strace $0x80000047;
	s31 =	sshrl.u32 s3, $0x1;
	s5 =	sadd.s32 s4, s5  }
0x8: {  	s7 =	sadd.s32 s8, s7;
	s30 =	sshrl.u32 s6, $0x3;
	s6 =	sadd.s32 $0x5DE8, s6  }
0x9: {  	s7 =	sadd.s32 $0x5E10, s7;
	s4 =	smul.u32 $0x480, s30;
	s6 =	sshrl.u32 s6, $0x3  }
0xa: {  	s8 =	ssub.s32 s3, s31;
	s7 =	sshrl.u32 s7, $0x3;
	s6 =	smul.u32 $0x480, s6  }
0xb: {  	s5 =	sadd.s32 $0x6DE200, s5;
	s7 =	smul.u32 $0x480, s7;
	s4 =	sadd.s32 s9, s4  }
0xc: {  	s3 =	sadd.s32 $0x34BC00, s4;
	s4 =	sadd.s32 s9, s6;
	s6 =	smax.u32 s8, $0x1  }
0xd: {  	s7 =	sadd.s32 s7, s9;
	s8 =	simm.s32 $0xB400;
	s9 =	simm.s32 $0x3  }
.LBB2_1:
0xe: {  	[tilespmem:s2], [sflag:$0x1] =	stream.linear.gather [hbm4b:s3+s2], $0xB400, $0x38;
	[tilespmem:$0x16800] =	vst v63  }
0xf: {  	s11 =	sand.u32 $0x1, s2  }
0x10: {  	p1 =	seq.s32 s11, $0x1  }
0x11: {  	[tilespmem:s8], [sflag:$0x2] =	stream.linear.gather [hbm4b:s4+s2], $0xB400, $0x38;
	[tilespmem:$0x16800] =	vst v63  }
0x12: {  	p0 =	por @p1 $0x0, $0x0;
	s11 =	simm.s32 @p1 $0x2  }
0x13: {  	s12 =	simm.s32 $0x1;
	_ =	swait.ge @p1 [sflag:s11], $0xB400;
	p0 =	por p0, !p1  }
0x14: {  	s15 =	smov.u32 s7;
	[sflag:s11] =	ssyncset.done @p1 $0x0;
	s13 =	simm.s32 @!p0 $0x0  }
0x15: {  	s14 =	simm.s32 @!p0 $0xB400;
	[sflag:s11] =	ssyncadd.s32 @p1 $0xFFFF4C00;
	s11 =	simm.s32 @!p1 $0x1  }
0x16: {  	[tilespmem:s14], [sflag:$0x2] =	stream.linear.gather @!p0 [hbm4b:s7+s13], $0xB400, $0x38;
	[tilespmem:$0x16800] =	vst v63  }
0x17: {  	s13 =	sand.u32 $0x1, s12;
	p0 =	por @!p1 $0x0, $0x0;
	_ =	swait.ge @!p1 [sflag:s11], $0xB400  }
0x18: {  	s14 =	simm.s32 $0x2;
	p0 =	por p0, p1;
	[sflag:s11] =	ssyncset.done @!p1 $0x0  }
0x19: {  	s16 =	simm.s32 @!p0 $0x0;
	[sflag:s11] =	ssyncadd.s32 @!p1 $0xFFFF4C00;
	s11 =	sadd.s32 $0x1680, s7  }
.LBB2_2:
0x1a: {  	[tilespmem:s16], [sflag:$0x1] =	stream.linear.gather @!p0 [hbm4b:s15+s16], $0xB400, $0x38;
	[tilespmem:$0x16800] =	vst v63  }
0x1b: {  	s16 =	smov.u32 s14;
	s15 =	smov.u32 s11;
	p1 =	seq.s32 s13, $0x1  }
0x1c: {  	s14 =	sadd.s32 $0x1, s14;
	s13 =	sand.u32 $0x1, s16;
	p0 =	sgt.u32 @p1 s12, $0x11  }
0x1d: {  	s17 =	simm.s32 @p1 $0x2;
	p2 =	sgt.u32 @!p1 s12, $0x11;
	p3 =	por p0, !p1  }
0x1e: {  	p0 =	por p2, p1;
	p2 =	sne.s32 s14, $0x14;
	_ =	swait.ge @p1 [sflag:s17], $0xB400  }
0x1f: {  	s12 =	simm.s32 @!p3 $0x0;
	s18 =	simm.s32 @!p3 $0xB400;
	[sflag:s17] =	ssyncset.done @p1 $0x0  }
.Ltmp0:
0x20: {  	[sflag:s17] =	ssyncadd.s32 @p1 $0xFFFF4C00;
	s17 =	simm.s32 @!p1 $0x1;
	(pc) =	sbr.rel @p2 .LBB2_2-.Ltmp0, $4  }
0x21: {  	[tilespmem:s18], [sflag:$0x2] =	stream.linear.gather @!p3 [hbm4b:s11+s12], $0xB400, $0x38;
	[tilespmem:$0x16800] =	vst v63  }
0x22: {  	s12 =	smov.u32 s16;
	_ =	swait.ge @!p1 [sflag:s17], $0xB400  }
0x23: {  	[sflag:s17] =	ssyncset.done @!p1 $0x0  }
0x24: {  	s16 =	simm.s32 @!p0 $0x0;
	s11 =	sadd.s32 $0x1680, s11;
	[sflag:s17] =	ssyncadd.s32 @!p1 $0xFFFF4C00  }
0x25: {  	[tilespmem:s16], [sflag:$0x1] =	stream.linear.gather @!p0 [hbm4b:s15+s16], $0xB400, $0x38;
	[tilespmem:$0x16800] =	vst v63  }
0x26: {  	p0 =	seq.s32 s13, $0x1  }
0x27: {  	p1 =	sgt.u32 @p0 s12, $0x11;
	s13 =	simm.s32 @p0 $0x2  }
0x28: {  	_ =	swait.ge @p0 [sflag:s13], $0xB400;
	p1 =	por p1, !p0  }
0x29: {  	[sflag:s13] =	ssyncset.done @p0 $0x0;
	s14 =	simm.s32 @!p1 $0x0  }
0x2a: {  	s15 =	simm.s32 @!p1 $0xB400;
	[sflag:s13] =	ssyncadd.s32 @p0 $0xFFFF4C00;
	s13 =	simm.s32 @!p0 $0x1  }
0x2b: {  	[tilespmem:s15], [sflag:$0x2] =	stream.linear.gather @!p1 [hbm4b:s11+s14], $0xB400, $0x38;
	[tilespmem:$0x16800] =	vst v63  }
0x2c: {  	p1 =	sgt.u32 @!p0 s12, $0x11;
	_ =	swait.ge @!p0 [sflag:s13], $0xB400  }
0x2d: {  	s10 =	sadd.s32 $0x1, s10;
	p1 =	por p1, p0;
	[sflag:s13] =	ssyncset.done @!p0 $0x0  }
0x2e: {  	s12 =	simm.s32 @!p1 $0x0;
	[sflag:s13] =	ssyncadd.s32 @!p0 $0xFFFF4C00;
	p0 =	sne.s32 s10, s6  }
0x2f: {  	[tilespmem:s12], [sflag:$0x1] =	stream.linear.gather @!p1 [hbm4b:s11+s12], $0xB400, $0x38;
	[tilespmem:$0x16800] =	vst v63  }
.Ltmp1:
0x30: {  	_ = 	snop;
	(pc) =	sbr.rel @p0 .LBB2_1-.Ltmp1, $4  }
0x31: {  	[hbm4b:s5+s2] =	stream.linear.scatter [tilespmem:s2], [sflag:$0x3], $0x80, $0x38;
	[tilespmem:$0x16800] =	vst v63  }
0x32: {  	_ =	swait.ge [sflag:s9], $0x80  }
0x33: {  	[sflag:s9] =	ssyncset.done $0x0  }
0x34: {  	[sflag:s9] =	ssyncadd.s32 $0xFFFFFF80  }
0x35: {  	_ =	sfence.sel $0x180000  }
0x36: {  	[bflag:$0x0] =	sbarrier.arrive $0xFFFF  }
0x37: {  	p0 =	sne.s32 s0, $0x0;
	_ =	strace $0x90000047  }
0x38: {  	s0 =	sadd.s32 @!p0 $0x100000, s1;
	[bflag:$0x2] =	sbarrier.arrive $0xFFFF  }
0x39: {  	[sflag:s0] =	ssyncadd.tile.s32 @!p0 $0x1;
	_ =	shalt  }
.Lfunc_end2:
_tile_overlayer_lowered:
.L_overlay_start_2:
0x3a: {  	(tag) =	ssettag $0x2  }
0x3b: {  	s0 =	rddreg [dreg:$0x0];
	s2 =	stileid.u32  }
0x3c: {  	s1 =	rddreg [dreg:$0x1];
	p0 =	sne.s32 s2, $0x0  }
0x3d: {  	s3 =	rddreg [dreg:$0x2];
	[bflag:$0x3] =	sbarrier.arrive $0xFFFF;
	s2 =	simm.s32 @!p0 $0x1C03  }
0x3e: {  	[timem:s3], [sflag:s2] =	dma.local @!p0 [hbm:s0], s1  }
0x3f: {  	s0 =	simm.s32 @!p0 $0x3  }
0x40: {  	_ =	swait.ge @!p0 [sflag:s0], s1  }
0x41: {  	s1 =	ssub.s32 @!p0 $0x0, s1;
	[sflag:s0] =	ssyncset.done @!p0 $0x0  }
0x42: {  	[sflag:s0] =	ssyncadd.s32 @!p0 s1  }
0x43: {  	[bflag:$0x3] =	sbarrier.arrive $0xFFFF  }
0x44: {  	_ =	shalt  }

</sc_bundles>
